<compile_context>
chip_gen: v7x
topology: tpu7x:2x2x1
jax: 0.10.2.dev20260603
libtpu: 0.0.44.dev20260713+nightly
codegen_flags: <defaults>
</compile_context>

<pallas_src>
import functools

import numpy as np
import jax
import jax.numpy as jnp
from jax import lax
from jax.experimental import pallas as pl
from jax.experimental.pallas import tpu as pltpu
from jax.experimental.pallas import tpu_sc as plsc

_B = 128
_BLOCK_SIZE = 17
_L = 128 * _BLOCK_SIZE
_D = 256
_V = 512

_NC, _NS = 2, 16
_NW = _NC * _NS
_N = _B * _L
_PER_W = _N // _NW
_CHUNK = 128
_NCHUNK = _PER_W // _CHUNK
_LANES = 16

_OFF_TILE = np.tile(
    np.where((np.arange(_L) % _BLOCK_SIZE) == (_BLOCK_SIZE - 1), _V, 0),
    _PER_W // _L,
).astype(np.int32).reshape(_NCHUNK, _CHUNK)


@functools.lru_cache(maxsize=None)
def _build_sc_embed():
    mesh = plsc.VectorSubcoreMesh(core_axis_name="c", subcore_axis_name="s")

    @functools.partial(
        pl.kernel,
        mesh=mesh,
        out_type=jax.ShapeDtypeStruct((_N, _D), jnp.float32),
        scratch_types=[
            pltpu.VMEM((_NCHUNK, _CHUNK), jnp.int32),
            pltpu.VMEM((_NCHUNK, _CHUNK), jnp.int32),
            pltpu.VMEM((_CHUNK, _D), jnp.float32),
            pltpu.VMEM((_CHUNK, _D), jnp.float32),
            pltpu.SemaphoreType.DMA,
            pltpu.SemaphoreType.DMA,
        ],
    )
    def sc_embed(table_hbm, tok_hbm, off_hbm, out_hbm,
                 idx_v, off_v, buf_a, buf_b, sem_a, sem_b):
        wid = lax.axis_index("s") * _NC + lax.axis_index("c")
        base_row = wid * _PER_W

        pltpu.sync_copy(tok_hbm.at[wid], idx_v)
        pltpu.sync_copy(off_hbm, off_v)

        def add_body(c, carry):
            for u in range(_CHUNK // _LANES):
                sl = pl.ds(u * _LANES, _LANES)
                idx_v[c, sl] = idx_v[c, sl] + off_v[c, sl]
            return carry

        lax.fori_loop(0, _NCHUNK, add_body, 0)

        def fire(c, buf, sem):
            pltpu.make_async_copy(table_hbm.at[idx_v.at[c]], buf, sem).start()

        def wait(c, buf, sem):
            pltpu.make_async_copy(table_hbm.at[idx_v.at[c]], buf, sem).wait()

        def write(c, buf):
            pltpu.sync_copy(buf, out_hbm.at[pl.ds(base_row + c * _CHUNK, _CHUNK)])

        fire(0, buf_a, sem_a)

        def loop_body(i, carry):
            c0 = 2 * i
            wait(c0, buf_a, sem_a)
            fire(c0 + 1, buf_b, sem_b)
            write(c0, buf_a)

            @pl.when(c0 + 2 < _NCHUNK)
            def _():
                fire(c0 + 2, buf_a, sem_a)

            wait(c0 + 1, buf_b, sem_b)
            write(c0 + 1, buf_b)
            return carry

        lax.fori_loop(0, _NCHUNK // 2, loop_body, 0)

    return sc_embed


def kernel(tokens, num_steps, prev_steps, table_obs, table_act):
    del num_steps, prev_steps
    table = jnp.concatenate([table_obs, table_act], axis=0)
    tok = tokens.astype(jnp.int32).reshape(_NW, _NCHUNK, _CHUNK)
    off = jnp.asarray(_OFF_TILE)
    out = _build_sc_embed()(table, tok, off)
    return out.reshape(_B, _L, _D)

# --- scband reference (transcript-rebuilt; emitter-appended) ---
"""Pipeline reference for scband-embedder-6296422056020 (READ-ONLY COPY).

The authoritative reference and input builder live on the scoring server;
editing this copy changes nothing except your own understanding.
"""

import math
import jax, jax.numpy as jnp
import numpy as np

B = 128
MAX_BLOCKS = 128
BLOCK_SIZE = 17
L = MAX_BLOCKS * BLOCK_SIZE  # 2176
D = 256
V = 512

MASK_OBS = np.array([1]*16 + [0], dtype=np.int64)
MASK_ACT = np.array([0]*16 + [1], dtype=np.int64)


def _make_indices(block_mask, max_blocks):
    # mirrors Slicer.__init__
    kept = np.where(block_mask)[0]
    num_kept = kept.size
    kept_indices = np.tile(kept, max_blocks)
    offsets = np.repeat(np.arange(max_blocks), num_kept)
    return kept_indices + block_mask.size * offsets, num_kept


def _compute_slice(indices, num_kept, block_size, num_steps, prev_steps):
    # mirrors Slicer.compute_slice (num_steps/prev_steps are Python ints)
    total_steps = num_steps + prev_steps
    num_blocks = math.ceil(total_steps / block_size)
    idx = indices[: num_blocks * num_kept]
    idx = idx[np.logical_and(prev_steps <= idx, idx < total_steps)] - prev_steps
    return idx


def setup_inputs(seed=0) -> dict:
    key = jax.random.key(seed)
    k1, k2, k3 = jax.random.split(key, 3)
    tokens = jax.random.randint(k1, (B, L), 0, V, dtype=jnp.int64)
    table_obs = jax.random.normal(k2, (V, D), dtype=jnp.float32)
    table_act = jax.random.normal(k3, (V, D), dtype=jnp.float32)
    return {
        "tokens": tokens,
        "num_steps": L,
        "prev_steps": 0,
        "table_obs": table_obs,
        "table_act": table_act,
    }


def reference(tokens, num_steps, prev_steps, table_obs, table_act):
    idx_obs, nk_obs = _make_indices(MASK_OBS, MAX_BLOCKS)
    idx_act, nk_act = _make_indices(MASK_ACT, MAX_BLOCKS)
    num_steps_static = tokens.shape[1]
    prev_steps_static = 0
    s_obs = _compute_slice(idx_obs, nk_obs, BLOCK_SIZE, num_steps_static, prev_steps_static)
    s_act = _compute_slice(idx_act, nk_act, BLOCK_SIZE, num_steps_static, prev_steps_static)

    dep = ((jnp.asarray(num_steps) + jnp.asarray(prev_steps)) * 0).astype(jnp.float32)
    output = jnp.zeros((tokens.shape[0], tokens.shape[1], table_obs.shape[1]), dtype=jnp.float32) + dep
    # obs embedding: gather rows then scatter-overwrite into the kept positions
    emb_obs = jnp.take(table_obs, tokens[:, s_obs], axis=0)
    output = output.at[:, s_obs].set(emb_obs)
    # act embedding
    emb_act = jnp.take(table_act, tokens[:, s_act], axis=0)
    output = output.at[:, s_act].set(emb_act)
    return output


if False:  # reference __main__ guard neutralized (emitter)
    out = reference(**setup_inputs())
    print(out.shape)

if __name__ == "__main__":
    import jax
    _d = setup_inputs()
    print(jax.jit(kernel)(*tuple(_d.values())))

</pallas_src>

<mosaic_0001>
#map = affine_map<(d0, d1) -> (0, 0)>
#map1 = affine_map<(d0, d1) -> (0, 0, 0)>
module attributes {stable_mosaic.version = 14 : i64} {
  func.func @sc_embed(%arg0: i32, %arg1: i32, %arg2: memref<1024x256xf32, #tpu.memory_space<hbm>>, %arg3: memref<32x68x128xi32, #tpu.memory_space<hbm>>, %arg4: memref<68x128xi32, #tpu.memory_space<hbm>>, %arg5: memref<278528x256xf32, #tpu.memory_space<hbm>>, %arg6: memref<68x128xi32, #tpu.memory_space<vmem>>, %arg7: memref<68x128xi32, #tpu.memory_space<vmem>>, %arg8: memref<128x256xf32, #tpu.memory_space<vmem>>, %arg9: memref<128x256xf32, #tpu.memory_space<vmem>>, %arg10: memref<!tpu.dma_semaphore, #tpu.memory_space<semaphore_mem>>, %arg11: memref<!tpu.dma_semaphore, #tpu.memory_space<semaphore_mem>>) attributes {dimension_semantics = [#tpu.dimension_semantics<core_parallel>, #tpu.dimension_semantics<subcore_parallel>], iteration_bounds = array<i64: 2, 16>, scalar_prefetch = 0 : i64, scratch_operands = 6 : i64, tpu.core_type = #tpu.core_type<sc_vector_subcore>, window_params = [{transform_indices = #map}, {transform_indices = #map1}, {transform_indices = #map}, {transform_indices = #map}]} {
    %mul3A = arith.constant 2 : i32
    %mul3A_0 = arith.muli %arg1, %mul3A : i32
    %add3A = arith.addi %mul3A_0, %arg0 : i32
    %mul3A_1 = arith.constant 8704 : i32
    %mul3A_2 = arith.muli %add3A, %mul3A_1 : i32
    "tpu.region"() ({
      %run_scoped3A = tpu.sem_alloc : memref<!tpu.dma_semaphore, #tpu.memory_space<semaphore_mem>>
      %dma_start3A_20 = arith.constant 0 : i32
      %dma_start3A_21 = arith.constant 0 : i32
      %dma_start3A_22 = tpu.memref_slice %arg3[%add3A, %dma_start3A_20, %dma_start3A_21] : memref<32x68x128xi32, #tpu.memory_space<hbm>> -> memref<1x68x128xi32, #tpu.memory_space<hbm>>
      %dma_start3A_23 = tpu.memref_squeeze %dma_start3A_22 : memref<1x68x128xi32, #tpu.memory_space<hbm>> -> memref<68x128xi32, #tpu.memory_space<hbm>>
      %dma_start3A_24 = arith.constant 0 : i32
      %dma_start3A_25 = arith.constant 0 : i32
      %dma_start3A_26 = tpu.memref_slice %arg3[%add3A, %dma_start3A_24, %dma_start3A_25] : memref<32x68x128xi32, #tpu.memory_space<hbm>> -> memref<1x68x128xi32, #tpu.memory_space<hbm>>
      %dma_start3A_27 = tpu.memref_squeeze %dma_start3A_26 : memref<1x68x128xi32, #tpu.memory_space<hbm>> -> memref<68x128xi32, #tpu.memory_space<hbm>>
      tpu.enqueue_dma source(%dma_start3A_27 : memref<68x128xi32, #tpu.memory_space<hbm>>) target(%arg6 : memref<68x128xi32, #tpu.memory_space<vmem>>) target_semaphore(%run_scoped3A : memref<!tpu.dma_semaphore, #tpu.memory_space<semaphore_mem>>)
      %dma_wait3A = arith.constant 0 : i32
      %dma_wait3A_28 = arith.constant 0 : i32
      %dma_wait3A_29 = tpu.memref_slice %arg3[%add3A, %dma_wait3A, %dma_wait3A_28] : memref<32x68x128xi32, #tpu.memory_space<hbm>> -> memref<1x68x128xi32, #tpu.memory_space<hbm>>
      %dma_wait3A_30 = tpu.memref_squeeze %dma_wait3A_29 : memref<1x68x128xi32, #tpu.memory_space<hbm>> -> memref<68x128xi32, #tpu.memory_space<hbm>>
      %dma_wait3A_31 = arith.constant 0 : i32
      %dma_wait3A_32 = arith.constant 0 : i32
      %dma_wait3A_33 = tpu.memref_slice %arg3[%add3A, %dma_wait3A_31, %dma_wait3A_32] : memref<32x68x128xi32, #tpu.memory_space<hbm>> -> memref<1x68x128xi32, #tpu.memory_space<hbm>>
      %dma_wait3A_34 = tpu.memref_squeeze %dma_wait3A_33 : memref<1x68x128xi32, #tpu.memory_space<hbm>> -> memref<68x128xi32, #tpu.memory_space<hbm>>
      tpu.wait_dma2 semaphore(%run_scoped3A : memref<!tpu.dma_semaphore, #tpu.memory_space<semaphore_mem>>) src(%dma_wait3A_34 : memref<68x128xi32, #tpu.memory_space<hbm>>) dst(%arg6 : memref<68x128xi32, #tpu.memory_space<vmem>>)
      tpu.yield
    }) : () -> ()
    "tpu.region"() ({
      %run_scoped3A = tpu.sem_alloc : memref<!tpu.dma_semaphore, #tpu.memory_space<semaphore_mem>>
      tpu.enqueue_dma source(%arg4 : memref<68x128xi32, #tpu.memory_space<hbm>>) target(%arg7 : memref<68x128xi32, #tpu.memory_space<vmem>>) target_semaphore(%run_scoped3A : memref<!tpu.dma_semaphore, #tpu.memory_space<semaphore_mem>>)
      tpu.wait_dma2 semaphore(%run_scoped3A : memref<!tpu.dma_semaphore, #tpu.memory_space<semaphore_mem>>) src(%arg4 : memref<68x128xi32, #tpu.memory_space<hbm>>) dst(%arg7 : memref<68x128xi32, #tpu.memory_space<vmem>>)
      tpu.yield
    }) : () -> ()
    %scan3A = arith.constant 0 : i32
    %scan3A_3 = arith.constant 0 : i32
    %scan3A_4 = arith.constant 68 : i32
    %scan3A_5 = arith.addi %scan3A_3, %scan3A_4 : i32
    %scan3A_6 = arith.constant 1 : i32
    scf.for %scan3A_20 = %scan3A_3 to %scan3A_5 step %scan3A_6  : i32 {
      %get3A = arith.index_cast %scan3A_20 : i32 to index
      %get3A_21 = arith.constant 0 : index
      %get3A_22 = tpu.vector_load %arg6[%get3A, %get3A_21] {strides = array<i32>} : memref<68x128xi32, #tpu.memory_space<vmem>>, vector<1x16xi32>,
      %get3A_23 = vector.shape_cast %get3A_22 : vector<1x16xi32> to vector<16xi32>
      %get3A_24 = arith.index_cast %scan3A_20 : i32 to index
      %get3A_25 = arith.constant 0 : index
      %get3A_26 = tpu.vector_load %arg7[%get3A_24, %get3A_25] {strides = array<i32>} : memref<68x128xi32, #tpu.memory_space<vmem>>, vector<1x16xi32>,
      %get3A_27 = vector.shape_cast %get3A_26 : vector<1x16xi32> to vector<16xi32>
      %add3A_28 = arith.addi %get3A_23, %get3A_27 : vector<16xi32>
      %swap3A = arith.index_cast %scan3A_20 : i32 to index
      %swap3A_29 = arith.constant 0 : index
      %swap3A_30 = tpu.vector_load %arg6[%swap3A, %swap3A_29] {strides = array<i32>} : memref<68x128xi32, #tpu.memory_space<vmem>>, vector<1x16xi32>,
      %swap3A_31 = vector.shape_cast %swap3A_30 : vector<1x16xi32> to vector<16xi32>
      %swap3A_32 = vector.shape_cast %add3A_28 : vector<16xi32> to vector<1x16xi32>
      tpu.vector_store %arg6[%swap3A, %swap3A_29], %swap3A_32 {strides = array<i32>} : memref<68x128xi32, #tpu.memory_space<vmem>>, vector<1x16xi32>,
      %get3A_33 = arith.index_cast %scan3A_20 : i32 to index
      %get3A_34 = arith.constant 16 : index
      %get3A_35 = tpu.vector_load %arg6[%get3A_33, %get3A_34] {strides = array<i32>} : memref<68x128xi32, #tpu.memory_space<vmem>>, vector<1x16xi32>,
      %get3A_36 = vector.shape_cast %get3A_35 : vector<1x16xi32> to vector<16xi32>
      %get3A_37 = arith.index_cast %scan3A_20 : i32 to index
      %get3A_38 = arith.constant 16 : index
      %get3A_39 = tpu.vector_load %arg7[%get3A_37, %get3A_38] {strides = array<i32>} : memref<68x128xi32, #tpu.memory_space<vmem>>, vector<1x16xi32>,
      %get3A_40 = vector.shape_cast %get3A_39 : vector<1x16xi32> to vector<16xi32>
      %add3A_41 = arith.addi %get3A_36, %get3A_40 : vector<16xi32>
      %swap3A_42 = arith.index_cast %scan3A_20 : i32 to index
      %swap3A_43 = arith.constant 16 : index
      %swap3A_44 = tpu.vector_load %arg6[%swap3A_42, %swap3A_43] {strides = array<i32>} : memref<68x128xi32, #tpu.memory_space<vmem>>, vector<1x16xi32>,
      %swap3A_45 = vector.shape_cast %swap3A_44 : vector<1x16xi32> to vector<16xi32>
      %swap3A_46 = vector.shape_cast %add3A_41 : vector<16xi32> to vector<1x16xi32>
      tpu.vector_store %arg6[%swap3A_42, %swap3A_43], %swap3A_46 {strides = array<i32>} : memref<68x128xi32, #tpu.memory_space<vmem>>, vector<1x16xi32>,
      %get3A_47 = arith.index_cast %scan3A_20 : i32 to index
      %get3A_48 = arith.constant 32 : index
      %get3A_49 = tpu.vector_load %arg6[%get3A_47, %get3A_48] {strides = array<i32>} : memref<68x128xi32, #tpu.memory_space<vmem>>, vector<1x16xi32>,
      %get3A_50 = vector.shape_cast %get3A_49 : vector<1x16xi32> to vector<16xi32>
      %get3A_51 = arith.index_cast %scan3A_20 : i32 to index
      %get3A_52 = arith.constant 32 : index
      %get3A_53 = tpu.vector_load %arg7[%get3A_51, %get3A_52] {strides = array<i32>} : memref<68x128xi32, #tpu.memory_space<vmem>>, vector<1x16xi32>,
      %get3A_54 = vector.shape_cast %get3A_53 : vector<1x16xi32> to vector<16xi32>
      %add3A_55 = arith.addi %get3A_50, %get3A_54 : vector<16xi32>
      %swap3A_56 = arith.index_cast %scan3A_20 : i32 to index
      %swap3A_57 = arith.constant 32 : index
      %swap3A_58 = tpu.vector_load %arg6[%swap3A_56, %swap3A_57] {strides = array<i32>} : memref<68x128xi32, #tpu.memory_space<vmem>>, vector<1x16xi32>,
      %swap3A_59 = vector.shape_cast %swap3A_58 : vector<1x16xi32> to vector<16xi32>
      %swap3A_60 = vector.shape_cast %add3A_55 : vector<16xi32> to vector<1x16xi32>
      tpu.vector_store %arg6[%swap3A_56, %swap3A_57], %swap3A_60 {strides = array<i32>} : memref<68x128xi32, #tpu.memory_space<vmem>>, vector<1x16xi32>,
      %get3A_61 = arith.index_cast %scan3A_20 : i32 to index
      %get3A_62 = arith.constant 48 : index
      %get3A_63 = tpu.vector_load %arg6[%get3A_61, %get3A_62] {strides = array<i32>} : memref<68x128xi32, #tpu.memory_space<vmem>>, vector<1x16xi32>,
      %get3A_64 = vector.shape_cast %get3A_63 : vector<1x16xi32> to vector<16xi32>
      %get3A_65 = arith.index_cast %scan3A_20 : i32 to index
      %get3A_66 = arith.constant 48 : index
      %get3A_67 = tpu.vector_load %arg7[%get3A_65, %get3A_66] {strides = array<i32>} : memref<68x128xi32, #tpu.memory_space<vmem>>, vector<1x16xi32>,
      %get3A_68 = vector.shape_cast %get3A_67 : vector<1x16xi32> to vector<16xi32>
      %add3A_69 = arith.addi %get3A_64, %get3A_68 : vector<16xi32>
      %swap3A_70 = arith.index_cast %scan3A_20 : i32 to index
      %swap3A_71 = arith.constant 48 : index
      %swap3A_72 = tpu.vector_load %arg6[%swap3A_70, %swap3A_71] {strides = array<i32>} : memref<68x128xi32, #tpu.memory_space<vmem>>, vector<1x16xi32>,
      %swap3A_73 = vector.shape_cast %swap3A_72 : vector<1x16xi32> to vector<16xi32>
      %swap3A_74 = vector.shape_cast %add3A_69 : vector<16xi32> to vector<1x16xi32>
      tpu.vector_store %arg6[%swap3A_70, %swap3A_71], %swap3A_74 {strides = array<i32>} : memref<68x128xi32, #tpu.memory_space<vmem>>, vector<1x16xi32>,
      %get3A_75 = arith.index_cast %scan3A_20 : i32 to index
      %get3A_76 = arith.constant 64 : index
      %get3A_77 = tpu.vector_load %arg6[%get3A_75, %get3A_76] {strides = array<i32>} : memref<68x128xi32, #tpu.memory_space<vmem>>, vector<1x16xi32>,
      %get3A_78 = vector.shape_cast %get3A_77 : vector<1x16xi32> to vector<16xi32>
      %get3A_79 = arith.index_cast %scan3A_20 : i32 to index
      %get3A_80 = arith.constant 64 : index
      %get3A_81 = tpu.vector_load %arg7[%get3A_79, %get3A_80] {strides = array<i32>} : memref<68x128xi32, #tpu.memory_space<vmem>>, vector<1x16xi32>,
      %get3A_82 = vector.shape_cast %get3A_81 : vector<1x16xi32> to vector<16xi32>
      %add3A_83 = arith.addi %get3A_78, %get3A_82 : vector<16xi32>
      %swap3A_84 = arith.index_cast %scan3A_20 : i32 to index
      %swap3A_85 = arith.constant 64 : index
      %swap3A_86 = tpu.vector_load %arg6[%swap3A_84, %swap3A_85] {strides = array<i32>} : memref<68x128xi32, #tpu.memory_space<vmem>>, vector<1x16xi32>,
      %swap3A_87 = vector.shape_cast %swap3A_86 : vector<1x16xi32> to vector<16xi32>
      %swap3A_88 = vector.shape_cast %add3A_83 : vector<16xi32> to vector<1x16xi32>
      tpu.vector_store %arg6[%swap3A_84, %swap3A_85], %swap3A_88 {strides = array<i32>} : memref<68x128xi32, #tpu.memory_space<vmem>>, vector<1x16xi32>,
      %get3A_89 = arith.index_cast %scan3A_20 : i32 to index
      %get3A_90 = arith.constant 80 : index
      %get3A_91 = tpu.vector_load %arg6[%get3A_89, %get3A_90] {strides = array<i32>} : memref<68x128xi32, #tpu.memory_space<vmem>>, vector<1x16xi32>,
      %get3A_92 = vector.shape_cast %get3A_91 : vector<1x16xi32> to vector<16xi32>
      %get3A_93 = arith.index_cast %scan3A_20 : i32 to index
      %get3A_94 = arith.constant 80 : index
      %get3A_95 = tpu.vector_load %arg7[%get3A_93, %get3A_94] {strides = array<i32>} : memref<68x128xi32, #tpu.memory_space<vmem>>, vector<1x16xi32>,
      %get3A_96 = vector.shape_cast %get3A_95 : vector<1x16xi32> to vector<16xi32>
      %add3A_97 = arith.addi %get3A_92, %get3A_96 : vector<16xi32>
      %swap3A_98 = arith.index_cast %scan3A_20 : i32 to index
      %swap3A_99 = arith.constant 80 : index
      %swap3A_100 = tpu.vector_load %arg6[%swap3A_98, %swap3A_99] {strides = array<i32>} : memref<68x128xi32, #tpu.memory_space<vmem>>, vector<1x16xi32>,
      %swap3A_101 = vector.shape_cast %swap3A_100 : vector<1x16xi32> to vector<16xi32>
      %swap3A_102 = vector.shape_cast %add3A_97 : vector<16xi32> to vector<1x16xi32>
      tpu.vector_store %arg6[%swap3A_98, %swap3A_99], %swap3A_102 {strides = array<i32>} : memref<68x128xi32, #tpu.memory_space<vmem>>, vector<1x16xi32>,
      %get3A_103 = arith.index_cast %scan3A_20 : i32 to index
      %get3A_104 = arith.constant 96 : index
      %get3A_105 = tpu.vector_load %arg6[%get3A_103, %get3A_104] {strides = array<i32>} : memref<68x128xi32, #tpu.memory_space<vmem>>, vector<1x16xi32>,
      %get3A_106 = vector.shape_cast %get3A_105 : vector<1x16xi32> to vector<16xi32>
      %get3A_107 = arith.index_cast %scan3A_20 : i32 to index
      %get3A_108 = arith.constant 96 : index
      %get3A_109 = tpu.vector_load %arg7[%get3A_107, %get3A_108] {strides = array<i32>} : memref<68x128xi32, #tpu.memory_space<vmem>>, vector<1x16xi32>,
      %get3A_110 = vector.shape_cast %get3A_109 : vector<1x16xi32> to vector<16xi32>
      %add3A_111 = arith.addi %get3A_106, %get3A_110 : vector<16xi32>
      %swap3A_112 = arith.index_cast %scan3A_20 : i32 to index
      %swap3A_113 = arith.constant 96 : index
      %swap3A_114 = tpu.vector_load %arg6[%swap3A_112, %swap3A_113] {strides = array<i32>} : memref<68x128xi32, #tpu.memory_space<vmem>>, vector<1x16xi32>,
      %swap3A_115 = vector.shape_cast %swap3A_114 : vector<1x16xi32> to vector<16xi32>
      %swap3A_116 = vector.shape_cast %add3A_111 : vector<16xi32> to vector<1x16xi32>
      tpu.vector_store %arg6[%swap3A_112, %swap3A_113], %swap3A_116 {strides = array<i32>} : memref<68x128xi32, #tpu.memory_space<vmem>>, vector<1x16xi32>,
      %get3A_117 = arith.index_cast %scan3A_20 : i32 to index
      %get3A_118 = arith.constant 112 : index
      %get3A_119 = tpu.vector_load %arg6[%get3A_117, %get3A_118] {strides = array<i32>} : memref<68x128xi32, #tpu.memory_space<vmem>>, vector<1x16xi32>,
      %get3A_120 = vector.shape_cast %get3A_119 : vector<1x16xi32> to vector<16xi32>
      %get3A_121 = arith.index_cast %scan3A_20 : i32 to index
      %get3A_122 = arith.constant 112 : index
      %get3A_123 = tpu.vector_load %arg7[%get3A_121, %get3A_122] {strides = array<i32>} : memref<68x128xi32, #tpu.memory_space<vmem>>, vector<1x16xi32>,
      %get3A_124 = vector.shape_cast %get3A_123 : vector<1x16xi32> to vector<16xi32>
      %add3A_125 = arith.addi %get3A_120, %get3A_124 : vector<16xi32>
      %swap3A_126 = arith.index_cast %scan3A_20 : i32 to index
      %swap3A_127 = arith.constant 112 : index
      %swap3A_128 = tpu.vector_load %arg6[%swap3A_126, %swap3A_127] {strides = array<i32>} : memref<68x128xi32, #tpu.memory_space<vmem>>, vector<1x16xi32>,
      %swap3A_129 = vector.shape_cast %swap3A_128 : vector<1x16xi32> to vector<16xi32>
      %swap3A_130 = vector.shape_cast %add3A_125 : vector<16xi32> to vector<1x16xi32>
      tpu.vector_store %arg6[%swap3A_126, %swap3A_127], %swap3A_130 {strides = array<i32>} : memref<68x128xi32, #tpu.memory_space<vmem>>, vector<1x16xi32>,
    }
    %scan3A_7 = arith.constant 68 : i32
    %dma_start3A = arith.constant 0 : i32
    %dma_start3A_8 = arith.constant 0 : i32
    %dma_start3A_9 = tpu.memref_slice %arg6[%dma_start3A, %dma_start3A_8] : memref<68x128xi32, #tpu.memory_space<vmem>> -> memref<1x128xi32, #tpu.memory_space<vmem>>
    %dma_start3A_10 = tpu.memref_squeeze %dma_start3A_9 : memref<1x128xi32, #tpu.memory_space<vmem>> -> memref<128xi32, #tpu.memory_space<vmem>>
    %dma_start3A_11 = arith.constant 0 : i32
    %dma_start3A_12 = arith.constant 0 : i32
    %dma_start3A_13 = tpu.memref_slice %arg2[%dma_start3A_11, %dma_start3A_12] : memref<1024x256xf32, #tpu.memory_space<hbm>> -> memref<1024x256xf32, #tpu.memory_space<hbm>>
    tpu.enqueue_indirect_dma source(%dma_start3A_13 : memref<1024x256xf32, #tpu.memory_space<hbm>>) target(%arg8 : memref<128x256xf32, #tpu.memory_space<vmem>>) offsets(%dma_start3A_10 : memref<128xi32, #tpu.memory_space<vmem>>) semaphore(%arg10 : memref<!tpu.dma_semaphore, #tpu.memory_space<semaphore_mem>>)
    %scan3A_14 = arith.constant 0 : i32
    %scan3A_15 = arith.constant 0 : i32
    %scan3A_16 = arith.constant 34 : i32
    %scan3A_17 = arith.addi %scan3A_15, %scan3A_16 : i32
    %scan3A_18 = arith.constant 1 : i32
    scf.for %scan3A_20 = %scan3A_15 to %scan3A_17 step %scan3A_18  : i32 {
      %mul3A_21 = arith.constant 2 : i32
      %mul3A_22 = arith.muli %mul3A_21, %scan3A_20 : i32
      %dma_wait3A = arith.constant 0 : i32
      %dma_wait3A_23 = tpu.memref_slice %arg6[%mul3A_22, %dma_wait3A] : memref<68x128xi32, #tpu.memory_space<vmem>> -> memref<1x128xi32, #tpu.memory_space<vmem>>
      %dma_wait3A_24 = tpu.memref_squeeze %dma_wait3A_23 : memref<1x128xi32, #tpu.memory_space<vmem>> -> memref<128xi32, #tpu.memory_space<vmem>>
      %dma_wait3A_25 = arith.constant 0 : i32
      %dma_wait3A_26 = arith.constant 0 : i32
      %dma_wait3A_27 = tpu.memref_slice %arg2[%dma_wait3A_25, %dma_wait3A_26] : memref<1024x256xf32, #tpu.memory_space<hbm>> -> memref<1024x256xf32, #tpu.memory_space<hbm>>
      tpu.wait_indirect_dma semaphore(%arg10 : memref<!tpu.dma_semaphore, #tpu.memory_space<semaphore_mem>>) src(%dma_wait3A_27 : memref<1024x256xf32, #tpu.memory_space<hbm>>) dst(%arg8 : memref<128x256xf32, #tpu.memory_space<vmem>>)
      %add3A_28 = arith.constant 1 : i32
      %add3A_29 = arith.addi %mul3A_22, %add3A_28 : i32
      %dma_start3A_30 = arith.constant 0 : i32
      %dma_start3A_31 = tpu.memref_slice %arg6[%add3A_29, %dma_start3A_30] : memref<68x128xi32, #tpu.memory_space<vmem>> -> memref<1x128xi32, #tpu.memory_space<vmem>>
      %dma_start3A_32 = tpu.memref_squeeze %dma_start3A_31 : memref<1x128xi32, #tpu.memory_space<vmem>> -> memref<128xi32, #tpu.memory_space<vmem>>
      %dma_start3A_33 = arith.constant 0 : i32
      %dma_start3A_34 = arith.constant 0 : i32
      %dma_start3A_35 = tpu.memref_slice %arg2[%dma_start3A_33, %dma_start3A_34] : memref<1024x256xf32, #tpu.memory_space<hbm>> -> memref<1024x256xf32, #tpu.memory_space<hbm>>
      tpu.enqueue_indirect_dma source(%dma_start3A_35 : memref<1024x256xf32, #tpu.memory_space<hbm>>) target(%arg9 : memref<128x256xf32, #tpu.memory_space<vmem>>) offsets(%dma_start3A_32 : memref<128xi32, #tpu.memory_space<vmem>>) semaphore(%arg11 : memref<!tpu.dma_semaphore, #tpu.memory_space<semaphore_mem>>)
      %mul3A_36 = arith.constant 128 : i32
      %mul3A_37 = arith.muli %mul3A_22, %mul3A_36 : i32
      %add3A_38 = arith.addi %mul3A_2, %mul3A_37 : i32
      "tpu.region"() ({
        %run_scoped3A = tpu.sem_alloc : memref<!tpu.dma_semaphore, #tpu.memory_space<semaphore_mem>>
        %dma_start3A_56 = arith.constant 0 : i32
        %dma_start3A_57 = tpu.memref_slice %arg5[%add3A_38, %dma_start3A_56] : memref<278528x256xf32, #tpu.memory_space<hbm>> -> memref<128x256xf32, #tpu.memory_space<hbm>>
        %dma_start3A_58 = arith.constant 0 : i32
        %dma_start3A_59 = tpu.memref_slice %arg5[%add3A_38, %dma_start3A_58] : memref<278528x256xf32, #tpu.memory_space<hbm>> -> memref<128x256xf32, #tpu.memory_space<hbm>>
        tpu.enqueue_dma source(%arg8 : memref<128x256xf32, #tpu.memory_space<vmem>>) target(%dma_start3A_59 : memref<128x256xf32, #tpu.memory_space<hbm>>) target_semaphore(%run_scoped3A : memref<!tpu.dma_semaphore, #tpu.memory_space<semaphore_mem>>)
        %dma_wait3A_60 = arith.constant 0 : i32
        %dma_wait3A_61 = tpu.memref_slice %arg5[%add3A_38, %dma_wait3A_60] : memref<278528x256xf32, #tpu.memory_space<hbm>> -> memref<128x256xf32, #tpu.memory_space<hbm>>
        %dma_wait3A_62 = arith.constant 0 : i32
        %dma_wait3A_63 = tpu.memref_slice %arg5[%add3A_38, %dma_wait3A_62] : memref<278528x256xf32, #tpu.memory_space<hbm>> -> memref<128x256xf32, #tpu.memory_space<hbm>>
        tpu.wait_dma2 semaphore(%run_scoped3A : memref<!tpu.dma_semaphore, #tpu.memory_space<semaphore_mem>>) src(%arg8 : memref<128x256xf32, #tpu.memory_space<vmem>>) dst(%dma_wait3A_63 : memref<128x256xf32, #tpu.memory_space<hbm>>)
        tpu.yield
      }) : () -> ()
      %add3A_39 = arith.constant 2 : i32
      %add3A_40 = arith.addi %mul3A_22, %add3A_39 : i32
      %lt3A = arith.constant 68 : i32
      %lt3A_41 = arith.cmpi slt, %add3A_40, %lt3A : i32
      %convert_element_type3A = arith.extui %lt3A_41 : i1 to i32
      %cond3A = arith.constant 0 : i32
      %cond3A_42 = arith.cmpi ne, %convert_element_type3A, %cond3A : i32
      scf.if %cond3A_42 {
        %add3A_56 = arith.constant 2 : i32
        %add3A_57 = arith.addi %mul3A_22, %add3A_56 : i32
        %dma_start3A_58 = arith.constant 0 : i32
        %dma_start3A_59 = tpu.memref_slice %arg6[%add3A_57, %dma_start3A_58] : memref<68x128xi32, #tpu.memory_space<vmem>> -> memref<1x128xi32, #tpu.memory_space<vmem>>
        %dma_start3A_60 = tpu.memref_squeeze %dma_start3A_59 : memref<1x128xi32, #tpu.memory_space<vmem>> -> memref<128xi32, #tpu.memory_space<vmem>>
        %dma_start3A_61 = arith.constant 0 : i32
        %dma_start3A_62 = arith.constant 0 : i32
        %dma_start3A_63 = tpu.memref_slice %arg2[%dma_start3A_61, %dma_start3A_62] : memref<1024x256xf32, #tpu.memory_space<hbm>> -> memref<1024x256xf32, #tpu.memory_space<hbm>>
        tpu.enqueue_indirect_dma source(%dma_start3A_63 : memref<1024x256xf32, #tpu.memory_space<hbm>>) target(%arg8 : memref<128x256xf32, #tpu.memory_space<vmem>>) offsets(%dma_start3A_60 : memref<128xi32, #tpu.memory_space<vmem>>) semaphore(%arg10 : memref<!tpu.dma_semaphore, #tpu.memory_space<semaphore_mem>>)
      } else {
      }
      %add3A_43 = arith.constant 1 : i32
      %add3A_44 = arith.addi %mul3A_22, %add3A_43 : i32
      %dma_wait3A_45 = arith.constant 0 : i32
      %dma_wait3A_46 = tpu.memref_slice %arg6[%add3A_44, %dma_wait3A_45] : memref<68x128xi32, #tpu.memory_space<vmem>> -> memref<1x128xi32, #tpu.memory_space<vmem>>
      %dma_wait3A_47 = tpu.memref_squeeze %dma_wait3A_46 : memref<1x128xi32, #tpu.memory_space<vmem>> -> memref<128xi32, #tpu.memory_space<vmem>>
      %dma_wait3A_48 = arith.constant 0 : i32
      %dma_wait3A_49 = arith.constant 0 : i32
      %dma_wait3A_50 = tpu.memref_slice %arg2[%dma_wait3A_48, %dma_wait3A_49] : memref<1024x256xf32, #tpu.memory_space<hbm>> -> memref<1024x256xf32, #tpu.memory_space<hbm>>
      tpu.wait_indirect_dma semaphore(%arg11 : memref<!tpu.dma_semaphore, #tpu.memory_space<semaphore_mem>>) src(%dma_wait3A_50 : memref<1024x256xf32, #tpu.memory_space<hbm>>) dst(%arg9 : memref<128x256xf32, #tpu.memory_space<vmem>>)
      %add3A_51 = arith.constant 1 : i32
      %add3A_52 = arith.addi %mul3A_22, %add3A_51 : i32
      %mul3A_53 = arith.constant 128 : i32
      %mul3A_54 = arith.muli %add3A_52, %mul3A_53 : i32
      %add3A_55 = arith.addi %mul3A_2, %mul3A_54 : i32
      "tpu.region"() ({
        %run_scoped3A = tpu.sem_alloc : memref<!tpu.dma_semaphore, #tpu.memory_space<semaphore_mem>>
        %dma_start3A_56 = arith.constant 0 : i32
        %dma_start3A_57 = tpu.memref_slice %arg5[%add3A_55, %dma_start3A_56] : memref<278528x256xf32, #tpu.memory_space<hbm>> -> memref<128x256xf32, #tpu.memory_space<hbm>>
        %dma_start3A_58 = arith.constant 0 : i32
        %dma_start3A_59 = tpu.memref_slice %arg5[%add3A_55, %dma_start3A_58] : memref<278528x256xf32, #tpu.memory_space<hbm>> -> memref<128x256xf32, #tpu.memory_space<hbm>>
        tpu.enqueue_dma source(%arg9 : memref<128x256xf32, #tpu.memory_space<vmem>>) target(%dma_start3A_59 : memref<128x256xf32, #tpu.memory_space<hbm>>) target_semaphore(%run_scoped3A : memref<!tpu.dma_semaphore, #tpu.memory_space<semaphore_mem>>)
        %dma_wait3A_60 = arith.constant 0 : i32
        %dma_wait3A_61 = tpu.memref_slice %arg5[%add3A_55, %dma_wait3A_60] : memref<278528x256xf32, #tpu.memory_space<hbm>> -> memref<128x256xf32, #tpu.memory_space<hbm>>
        %dma_wait3A_62 = arith.constant 0 : i32
        %dma_wait3A_63 = tpu.memref_slice %arg5[%add3A_55, %dma_wait3A_62] : memref<278528x256xf32, #tpu.memory_space<hbm>> -> memref<128x256xf32, #tpu.memory_space<hbm>>
        tpu.wait_dma2 semaphore(%run_scoped3A : memref<!tpu.dma_semaphore, #tpu.memory_space<semaphore_mem>>) src(%arg9 : memref<128x256xf32, #tpu.memory_space<vmem>>) dst(%dma_wait3A_63 : memref<128x256xf32, #tpu.memory_space<hbm>>)
        tpu.yield
      }) : () -> ()
    }
    %scan3A_19 = arith.constant 34 : i32
    return
  }
}

</mosaic_0001>

<sc_bundles>
// kernel: kernel.3.cloned.1.call-start
scs
__scs_entry_jumppad:
0x0: {  	(pc) =	sbr.rel $0x88, $3  }
0x1: {  	(tag) =	ssettag $0x0;
	lr =	simm.s32 $0x1  }
0x2: {  	[smem:$0x3F9E] =	sst lr;
	_ =	strace $0xD0000000  }
0x3: {  	_ = 	snop  }
0x4: {  	_ = 	snop  }
0x5: {  	_ = 	snop  }
0x6: {  	_ = 	snop  }
0x7: {  	_ = 	snop  }
__scs_overlays_trampoline_lowered:
0x8: {  	[smem:$0x3FAD] =	sst s0  }
0x9: {  	[smem:$0x3FAE] =	sst s1  }
0xa: {  	[smem:$0x3FAF] =	sst s2  }
0xb: {  	[smem:$0x3FB0] =	sst s3  }
0xc: {  	[smem:$0x3FB1] =	sst s4  }
0xd: {  	[smem:$0x3FB2] =	sst s5  }
0xe: {  	[smem:$0x3FB3] =	sst s6  }
0xf: {  	[smem:$0x3FB4] =	sst s7  }
0x10: {  	[smem:$0x3FB5] =	sst s8  }
0x11: {  	[smem:$0x3FB6] =	sst s9;
	s0 =	simm.s32 @!p0 $0x0  }
0x12: {  	s1 =	sld [smem:$0x3F9C];
	s0 =	simm.s32 @p0 $0x1  }
0x13: {  	[smem:$0x3FB7] =	sst s0;
	s0 =	simm.s32 @!p1 $0x0  }
0x14: {  	s2 =	sld [smem:$0x3F9B];
	s0 =	simm.s32 @p1 $0x1  }
0x15: {  	[smem:$0x3FB8] =	sst s0;
	s0 =	simm.s32 @!p2 $0x0  }
0x16: {  	s3 =	sld [smem:$0x3FDB];
	s0 =	simm.s32 @p2 $0x1  }
0x17: {  	s4 =	simm.s32 $0x1BF5;
	[smem:$0x3FBA] =	sst s0  }
0x18: {  	s0 =	sld [smem:$0x3F9D];
	_ =	swait.ge [sflag:s4], $0x0  }
0x19: {  	s7 =	sld [smem:$0x3F9E]  }
0x1a: {  	s8 =	sadd.s32 $0xFFFFE003, lr  }
0x1b: {  	s9 =	sadd.s32 $0xFFFFFEF7, lr;
	s5 =	simm.s32 $0xFFFFFFFF;
	p2 =	slt.u32 s8, $0xFFFFF086  }
0x1c: {  	p1 =	slt.u32 s9, $0xF7A;
	s5 =	simm.s32 @!p2 $0x0  }
0x1d: {  	s5 =	simm.s32 @p1 $0x1;
	p0 =	seq.s32 s7, s2  }
0x1e: {  	s7 =	smul.u32 @!p0 $0xF7A, s2;
	p2 =	seq.s32 @!p0 s5, $0x0  }
0x1f: {  	s9 =	smul.u32 $0xF7A, s1;
	s8 =	simm.s32 @!p0 $0x1BF5;
	p2 =	por !p2, p0  }
0x20: {  	[sflag:s8] =	ssyncset.s32 @!p0 $0xFFFFF086;
	s6 =	sadd.s32 @!p0 s3, s7;
	s7 =	simm.s32 @!p0 $0x108  }
0x21: {  	s3 =	sadd.s32 s3, s9;
	s6 =	sadd.s32 @!p0 $0x88, s6;
	s7 =	simm.s32 @p2 $0x1082  }
0x22: {  	[simem:s7], [sflag:s8] =	dma.local @!p0 [hbm:s6], $0xF7A  }
0x23: {  	s9 =	sor.u32 $0xD0000000, s2;
	s6 =	simm.s32 $0x108;
	_ =	swait.ge @!p0 [sflag:s8], $0x0  }
0x24: {  	s3 =	sadd.s32 $0x88, s3;
	s6 =	simm.s32 @!p1 $0x1082;
	[sflag:s4] =	ssyncset.s32 $0xFFFFF086  }
0x25: {  	[simem:s6], [sflag:s4] =	dma.local [hbm:s3], $0xF7A  }
0x26: {  	[smem:$0x3F9E] =	sst s1;
	(tag) =	ssettag s2;
	_ =	strace s9  }
0x27: {  	s1 =	sld [smem:$0x3FAE]  }
0x28: {  	s2 =	sld [smem:$0x3FAF]  }
0x29: {  	s4 =	sld [smem:$0x3FB1]  }
0x2a: {  	p0 =	seq.s32 s5, $0x0;
	s5 =	sld [smem:$0x3FB2]  }
0x2b: {  	s6 =	sld [smem:$0x3FB3]  }
0x2c: {  	s7 =	sld [smem:$0x3FB4]  }
0x2d: {  	s3 =	simm.s32 $0x108;
	s8 =	sld [smem:$0x3FB5]  }
0x2e: {  	s3 =	simm.s32 @!p0 $0x1082;
	s9 =	sld [smem:$0x3FB6]  }
0x2f: {  	lr =	sadd.s32 s0, s3;
	s0 =	sld [smem:$0x3FAD]  }
0x30: {  	s3 =	sld [smem:$0x3FB0]  }
0x31: {  	[smem:$0x3FB9] =	sst s10  }
0x32: {  	s10 =	sld [smem:$0x3FB7];
	_ =	sdelay $0x3  }
0x33: {  	p0 =	seq.s32 s10, $0x1;
	s10 =	sld [smem:$0x3FB9];
	_ =	sdelay $0x3  }
0x34: {  	[smem:$0x3FB9] =	sst s10  }
0x35: {  	s10 =	sld [smem:$0x3FB8];
	_ =	sdelay $0x3  }
0x36: {  	p1 =	seq.s32 s10, $0x1;
	s10 =	sld [smem:$0x3FB9];
	_ =	sdelay $0x3  }
0x37: {  	[smem:$0x3FB9] =	sst s10  }
0x38: {  	s10 =	sld [smem:$0x3FBA]  }
0x39: {  	_ = 	snop;
	(pc) =	sbr.ind lr, $3  }
0x3a: {  	_ = 	snop  }
0x3b: {  	_ = 	snop  }
0x3c: {  	p2 =	seq.s32 s10, $0x1;
	s10 =	sld [smem:$0x3FB9]  }
0x3d: {  	_ =	shalt  }
0x3e: {  	_ =	shalt  }
0x3f: {  	_ =	shalt  }
0x40: {  	_ =	shalt  }
0x41: {  	_ =	shalt  }
0x42: {  	_ =	shalt  }
0x43: {  	_ =	shalt  }
0x44: {  	_ =	shalt  }
0x45: {  	_ =	shalt  }
0x46: {  	_ =	shalt  }
0x47: {  	_ =	shalt  }
0x48: {  	_ =	shalt  }
0x49: {  	_ =	shalt  }
0x4a: {  	_ =	shalt  }
0x4b: {  	_ =	shalt  }
0x4c: {  	_ =	shalt  }
0x4d: {  	_ =	shalt  }
0x4e: {  	_ =	shalt  }
0x4f: {  	_ =	shalt  }
0x50: {  	_ =	shalt  }
0x51: {  	_ =	shalt  }
0x52: {  	_ =	shalt  }
0x53: {  	_ =	shalt  }
0x54: {  	_ =	shalt  }
0x55: {  	_ =	shalt  }
0x56: {  	_ =	shalt  }
0x57: {  	_ =	shalt  }
0x58: {  	_ =	shalt  }
0x59: {  	_ =	shalt  }
0x5a: {  	_ =	shalt  }
0x5b: {  	_ =	shalt  }
0x5c: {  	_ =	shalt  }
0x5d: {  	_ =	shalt  }
0x5e: {  	_ =	shalt  }
0x5f: {  	_ =	shalt  }
0x60: {  	_ =	shalt  }
0x61: {  	_ =	shalt  }
0x62: {  	_ =	shalt  }
0x63: {  	_ =	shalt  }
0x64: {  	_ =	shalt  }
0x65: {  	_ =	shalt  }
0x66: {  	_ =	shalt  }
0x67: {  	_ =	shalt  }
0x68: {  	_ =	shalt  }
0x69: {  	_ =	shalt  }
0x6a: {  	_ =	shalt  }
0x6b: {  	_ =	shalt  }
0x6c: {  	_ =	shalt  }
0x6d: {  	_ =	shalt  }
0x6e: {  	_ =	shalt  }
0x6f: {  	_ =	shalt  }
0x70: {  	_ =	shalt  }
0x71: {  	_ =	shalt  }
0x72: {  	_ =	shalt  }
0x73: {  	_ =	shalt  }
0x74: {  	_ =	shalt  }
0x75: {  	_ =	shalt  }
0x76: {  	_ =	shalt  }
0x77: {  	_ =	shalt  }
0x78: {  	_ =	shalt  }
0x79: {  	_ =	shalt  }
0x7a: {  	_ =	shalt  }
0x7b: {  	_ =	shalt  }
0x7c: {  	_ =	shalt  }
0x7d: {  	_ =	shalt  }
0x7e: {  	_ =	shalt  }
0x7f: {  	_ =	shalt  }
0x80: {  	_ =	shalt  }
0x81: {  	_ =	shalt  }
0x82: {  	_ =	shalt  }
0x83: {  	_ =	shalt  }
0x84: {  	_ =	shalt  }
0x85: {  	_ =	shalt  }
0x86: {  	_ =	shalt  }
0x87: {  	_ =	shalt  }
.Lfunc_end0:
.L_simem_size_0:
called_computation_lowered:
.L_overlay_start_0:
0x88: {  	s2 =	sld [smem:$0x3FD9]  }
0x89: {  	s3 =	sld [smem:$0x3FFE];
	_ =	sdelay $0x1  }
0x8a: {  	s1 =	srdreg.scid  }
0x8b: {  	s0 =	sand.u32 $0x1, s1  }
0x8c: {  	s17 =	sshll.u32 s0, $0xA;
	s2 =	sadd.s32 s3, s2  }
0x8d: {  	s2 =	sadd.s32 s2, s17  }
0x8e: {  	[smem:$0x3FC5] =	sst s2  }
0x8f: {  	_ = 	snop  }
0x90: {  	s2 =	sld [smem:$0x3FD0];
	(tm) =	ssettm $0x1  }
0x91: {  	s18 =	sld [smem:$0x3FFB];
	_ =	sdelay $0x3  }
0x92: {  	_ =	strace s18  }
0x93: {  	s3 =	sld [smem:$0x3FFC];
	_ =	sdelay $0x3  }
0x94: {  	_ =	strace s3  }
0x95: {  	s3 =	sld [smem:$0x3FFD];
	_ =	sdelay $0x3  }
0x96: {  	_ =	strace s3  }
0x97: {  	_ =	strace $0x8FFFFFFF  }
0x98: {  	s19 =	sld [smem:$0x3FDB];
	_ =	sdelay $0x1  }
0x99: {  	s4 =	simm.s32 $_scs_section_size  }
0x9a: {  	s5 =	simm.s32 $_size__tile_overlayer_lowered;
	s6 =	simm.s32 $_tile_overlayer_lowered  }
0x9b: {  	s22 =	simm.s32 $0x1BFF;
	s21 =	sshll.u32 s6, $0x1;
	s3 =	sadd.s32 s4, s19  }
0x9c: {  	s7 =	simm.s32 $0x0;
	s20 =	sshll.u32 s5, $0x1;
	s5 =	sadd.s32 s21, s3  }
0x9d: {  	[timem:s7], [sflag:s22] =	dma.local [hbm:s5], s20  }
0x9e: {  	_ =	swait.ge [sflag:s22], s20  }
0x9f: {  	s4 =	ssub.s32 $0x0, s20;
	[sflag:s22] =	ssyncset.done $0x0  }
0xa0: {  	[sflag:s22] =	ssyncadd.s32 s4;
	_ =	sdelay $0x1  }
0xa1: {  	s23 =	simm.s32 $0x1B8B  }
0xa2: {  	_ =	swait.ge [sflag:s23], $0x1  }
0xa3: {  	[sflag:s23] =	ssyncset.done $0x0  }
0xa4: {  	s25 =	simm.s32 $0x1B8E;
	s24 =	sld [smem:$0x3FFE];
	[sflag:s23] =	ssyncadd.s32 $0xFFFFFFFF  }
0xa5: {  	s26 =	simm.s32 $execute0_lowered;
	[smem:$0x3FD2] =	sst s25  }
0xa6: {  	s5 =	sshll.u32 s26, $0x1;
	_ =	strace $0x80000046;
	[dreg:$0x1] =	wrdreg $0xFFFFFFFF  }
0xa7: {  	s28 =	simm.s32 $_size_execute0_lowered;
	s3 =	sadd.s32 s3, s5;
	[dreg:$0x0] =	wrdreg $0x0  }
0xa8: {  	s5 =	sshll.u32 s28, $0x1;
	[dreg:$0x2] =	wrdreg s3  }
0xa9: {  	[dreg:$0x3] =	wrdreg s5  }
0xaa: {  	[dreg:$0x4] =	wrdreg $0xC0  }
0xab: {  	_ =	task [dreg:s7], $0x5FFFF  }
0xac: {  	[dreg:$0x1] =	wrdreg $0xFFFFFFFF  }
0xad: {  	[dreg:$0x0] =	wrdreg $0x60  }
0xae: {  	[dreg:$0x2] =	wrdreg s24  }
0xaf: {  	[dreg:$0x3] =	wrdreg s2  }
0xb0: {  	[dreg:$0x4] =	wrdreg $0x9  }
0xb1: {  	_ =	task.clear_ibuf [dreg:s7], $0x5FFFF;
	_ =	strace $0x90000046  }
0xb2: {  	s29 =	simm.s32 $0x9;
	_ =	strace $0x80000048  }
0xb3: {  	_ =	swait.ge [sflag:s29], $0x1  }
0xb4: {  	[sflag:s29] =	ssyncadd.s32 $0xFFFFFFFF  }
0xb5: {  	_ =	strace $0x90000048  }
0xb6: {  	_ =	sfence  }
0xb7: {  	s30 =	sld [smem:$0x0];
	_ =	sdelay $0x2  }
0xb8: {  	s31 =	sshll.u32 s1, $0xD;
	s1 =	sshrl.u32 s1, $0x2  }
0xb9: {  	s3 =	sand.u32 $0x4000, s31;
	s1 =	sadd.s32 s1, s30  }
0xba: {  	s0 =	sor.u32 s3, s0;
	s1 =	sshll.u32 s1, $0x11  }
0xbb: {  	s0 =	sor.u32 s1, s0  }
0xbc: {  	s0 =	sadd.s32 $0x8F2B, s0  }
0xbd: {  	[sflag:s0] =	ssyncadd.remote.s32 $0x1  }
0xbe: {  	_ =	sfence.sel $0xFFFF  }
0xbf: {  	[dreg:$0x0] =	wrdreg $0xFFFFFFFF;
	(pc) =	sbr.abs _section_cstart, $3  }
0xc0: {  	[dreg:$0x1] =	wrdreg $0xFFFFFFFF  }
0xc1: {  	_ =	task.clear_ibuf [dreg:s7], $0x2FFFF;
	_ =	strace $0x9FFFFFFF  }
0xc2: {  	(tm) =	ssettm $0x7FFFFFFF  }
0xc3: {  	_ =	shalt  }
tec
execute0_lowered:
.L_overlay_start_1:
0x0: {  	(tag) =	ssettag $0x1  }
0x1: {  	s0 =	rddreg [dreg:$0x0];
	s1 =	srdreg.scid  }
0x2: {  	s8 =	stileid.u32;
	s4 =	rddreg [dreg:$0x1]  }
0x3: {  	s2 =	simm.s32 $0x0;
	s11 =	simm.s32 $0x4800;
	s28 =	simm.s32 $0x1  }
0x4: {  	s29 =	simm.s32 $0xC800;
	s30 =	simm.s32 $0xD000;
	s31 =	simm.s32 $0xD800  }
0x5: {  	s12 =	simm.s32 $0x11000;
	s13 =	simm.s32 $0x11800;
	s14 =	simm.s32 $0x12000  }
0x6: {  	s15 =	simm.s32 $0x12800;
	s16 =	simm.s32 $0x13000;
	s17 =	simm.s32 $0x13800  }
0x7: {  	s18 =	simm.s32 $0x14000;
	s19 =	simm.s32 $0x2;
	s6 =	smul.u32 $0x88000, s8  }
0x8: {  	s1 =	sand.u32 $0x1, s1;
	s3 =	sshll.u32 s8, $0x1;
	s8 =	smul.u32 $0x440000, s8  }
0x9: {  	s21 =	simm.s32 $0x0;
	[smem:$0x7FF] =	sst s2;
	s10 =	smul.u32 $0x220000, s1  }
0xa: {  	s3 =	sor.u32 s1, s3;
	s7 =	ssub.s32 $0x2, s1;
	s1 =	smul.u32 $0x44000, s1  }
0xb: {  	_ =	strace $0x80000047;
	s5 =	smul.u32 $0x480, s3;
	s3 =	sadd.s32 $0x9A00, s0  }
0xc: {  	s9 =	sshrl.u32 s7, $0x1;
	s23 =	sadd.s32 s6, s4;
	s6 =	simm.s32 $0x10800  }
0xd: {  	s22 =	ssub.s32 s7, s9;
	s24 =	sadd.s32 s10, s8;
	s25 =	sadd.s32 s1, s23  }
0xe: {  	s9 =	simm.s32 $0x3;
	s23 =	simm.s32 $0xA800;
	s1 =	simm.s32 $0xE000  }
0xf: {  	s10 =	simm.s32 $0xF000;
	s5 =	sadd.s32 s5, s0;
	s0 =	sadd.s32 $0x11A00, s0  }
.Ltmp0:
0x10: {  	s26 =	sshrl.u32 s24, $0x3;
	s7 =	sadd.s32 $0x1000, s25;
	(pc) =	sbr.rel .LBB2_1-.Ltmp0, $4  }
0x11: {  	s24 =	simm.s32 $0xB000;
	s25 =	simm.s32 $0xB800;
	[dreg:$0x3] =	wrdreg s0  }
0x12: {  	v2 =	vlaneseq.u32;
	s5 =	sadd.s32 $0xA00, s5;
	s0 =	smax.u32 s22, $0x1;
	s8 =	sadd.s32 s26, s4  }
0x13: {  	vm0 =	vmmov $0xffff;
	v1 =	vshrl.u32 v2, $0x3;
	s26 =	simm.s32 $0xC000;
	s4 =	simm.s32 $0xF800;
	[dreg:$0x4] =	wrdreg s5  }
0x14: {  	v0 =	vand.u32 $0x7, v2;
	v2 =	vor.u32 $0x8, v2;
	v1 =	vmul.u32 $0x8, v1;
	[dreg:$0x5] =	wrdreg s0;
	s0 =	simm.s32 $0xE800;
	s5 =	simm.s32 $0x10000  }
.LBB2_7:
0x15: {  	s21 =	rddreg [dreg:$0x6]  }
0x16: {  	s20 =	rddreg [dreg:$0x5];
	s21 =	sadd.s32 $0x1, s21  }
0x17: {  	p0 =	sne.s32 s21, s20  }
.Ltmp1:
0x18: {  	_ = 	snop;
	(pc) =	sbr.rel @!p0 .LBB2_8-.Ltmp1, $1  }
0x19: {  	_ =	sdelay $0x3  }
.LBB2_1:
0x1a: {  	[dreg:$0x6] =	wrdreg s21  }
0x1b: {  	s20 =	rddreg [dreg:$0x4]  }
0x1c: {  	[tilespmem:s2], [sflag:$0x3] =	stream.linear.gather [hbm4b:s20+s2], $0x2200, $0x38;
	[tilespmem:$0x14800] =	vst v63  }
0x1d: {  	_ =	swait.ge [sflag:s9], $0x2200  }
0x1e: {  	[sflag:s9] =	ssyncset.done $0x0  }
0x1f: {  	s22 =	simm.s32 $0x2400;
	s21 =	rddreg [dreg:$0x3];
	[sflag:s9] =	ssyncadd.s32 $0xFFFFDE00  }
0x20: {  	[tilespmem:s22], [sflag:$0x3] =	stream.linear.gather [hbm4b:s21+s2], $0x2200, $0x38;
	[tilespmem:$0x14800] =	vst v63  }
0x21: {  	_ =	swait.ge [sflag:s9], $0x2200  }
0x22: {  	[sflag:s9] =	ssyncset.done $0x0  }
0x23: {  	s20 =	simm.s32 $0x0;
	[sflag:s9] =	ssyncadd.s32 $0xFFFFDE00  }
0x24: {  	v9 =	vld [tilespmem:s20+$0x2400]  }
0x25: {  	v11 =	vld [tilespmem:s20+$0x2410]  }
0x26: {  	v8 =	vld [tilespmem:s20+$0x2420]  }
0x27: {  	v7 =	vld [tilespmem:s20+$0x2430]  }
0x28: {  	v6 =	vld [tilespmem:s20+$0x2440]  }
0x29: {  	v5 =	vld [tilespmem:s20+$0x2450]  }
0x2a: {  	v4 =	vld [tilespmem:s20+$0x2460]  }
0x2b: {  	v3 =	vld [tilespmem:s20+$0x2470]  }
0x2c: {  	v14 =	vld [tilespmem:s20+$0x0]  }
0x2d: {  	v15 =	vld [tilespmem:s20+$0x10]  }
0x2e: {  	v13 =	vld [tilespmem:s20+$0x20]  }
0x2f: {  	v12 =	vld [tilespmem:s20+$0x30]  }
0x30: {  	v10 =	vld [tilespmem:s20+$0x40]  }
0x31: {  	v14 =	vadd.s32 v14, v9;
	v9 =	vld [tilespmem:s20+$0x50]  }
0x32: {  	s21 =	simm.s32 $0x200;
	[tilespmem:s20+$0x0] =	vst v14;
	v14 =	vadd.s32 v15, v11;
	v11 =	vld [tilespmem:s20+$0x60]  }
.LBB2_2:
0x33: {  	s22 =	sshra.s32 s21, $0x2;
	p0 =	sne.s32 s21, $0x8600;
	[tilespmem:s20+$0x10] =	vst v14;
	v8 =	vadd.s32 v13, v8;
	v13 =	vld [tilespmem:s20+$0x70]  }
0x34: {  	v14 =	vld [tilespmem:s22+$0x2400];
	[tilespmem:s20+$0x20] =	vst v8;
	v7 =	vadd.s32 v12, v7  }
0x35: {  	v15 =	vld [tilespmem:s22+$0x2410];
	[tilespmem:s20+$0x30] =	vst v7;
	v6 =	vadd.s32 v10, v6  }
0x36: {  	v8 =	vld [tilespmem:s22+$0x2420];
	[tilespmem:s20+$0x40] =	vst v6;
	v5 =	vadd.s32 v9, v5  }
0x37: {  	v7 =	vld [tilespmem:s22+$0x2430];
	[tilespmem:s20+$0x50] =	vst v5;
	v4 =	vadd.s32 v11, v4  }
0x38: {  	v6 =	vld [tilespmem:s22+$0x2440];
	[tilespmem:s20+$0x60] =	vst v4;
	v3 =	vadd.s32 v13, v3  }
0x39: {  	v5 =	vld [tilespmem:s22+$0x2450];
	[tilespmem:s20+$0x70] =	vst v3;
	s20 =	smov.u32 s22  }
0x3a: {  	v4 =	vld [tilespmem:s20+$0x2460]  }
0x3b: {  	v3 =	vld [tilespmem:s20+$0x2470]  }
0x3c: {  	v9 =	vld [tilespmem:s20+$0x0]  }
0x3d: {  	v11 =	vld [tilespmem:s20+$0x10]  }
.Ltmp2:
0x3e: {  	v13 =	vld [tilespmem:s20+$0x20];
	(pc) =	sbr.rel @p0 .LBB2_2-.Ltmp2, $4  }
0x3f: {  	v12 =	vld [tilespmem:s20+$0x30]  }
0x40: {  	v10 =	vld [tilespmem:s20+$0x40]  }
0x41: {  	v14 =	vadd.s32 v9, v14;
	v9 =	vld [tilespmem:s20+$0x50]  }
0x42: {  	s21 =	sadd.s32 $0x200, s21;
	[tilespmem:s20+$0x0] =	vst v14;
	v14 =	vadd.s32 v11, v15;
	v11 =	vld [tilespmem:s20+$0x60]  }
0x43: {  	v55 =	vld [tilespmem:s20+$0x70]  }
0x44: {  	[tilespmem:s20+$0x10] =	vst v14;
	v8 =	vadd.s32 v13, v8  }
0x45: {  	[tilespmem:s20+$0x20] =	vst v8;
	v7 =	vadd.s32 v12, v7  }
0x46: {  	[tilespmem:s20+$0x30] =	vst v7;
	v5 =	vadd.s32 v9, v5  }
0x47: {  	[tilespmem:s20+$0x50] =	vst v5;
	v4 =	vadd.s32 v11, v4  }
0x48: {  	[tilespmem:s20+$0x60] =	vst v4;
	v3 =	vadd.s32 v55, v3  }
0x49: {  	[tilespmem:s20+$0x70] =	vst v3  }
0x4a: {  	v3 =	vld [tilespmem:$0x0];
	_ =	sdelay $0x4  }
0x4b: {  	v56 =	vshll.u32 v3, $0x1  }
0x4c: {  	v3 =	vand.u32 $0x7, v3;
	v4 =	vand.u32 $0xFFFFFFF0, v56  }
0x4d: {  	v3 =	vor.u32 v3, v4  }
0x4e: {  	v4 =	vperm.xlane v3, v0;
	_ =	sdelay $0x1  }
0x4f: {  	v3 =	vperm.xlane v3, v2;
	v4 =	vadd.s32 v1, v4;
	_ =	sdelay $0x1  }
0x50: {  	v3 =	vadd.s32 v1, v3  }
0x51: {  	v6 =	vadd.s32 v10, v6  }
0x52: {  	[tilespmem:s20+$0x40] =	vst v6;
	s20 =	simm.s32 $0x0  }
0x53: {  	[tilespmem:s11], [sflag:$0x1] =	stream.indirect_vreg.gather [hbm4b:s3+s20], $0x80, v4, vm0, $0xb8;
	[tilespmem:$0x14800] =	vst v63  }
0x54: {  	s21 =	simm.s32 $0x5000  }
0x55: {  	[tilespmem:s21], [sflag:$0x1] =	stream.indirect_vreg.gather [hbm4b:s3+s20], $0x80, v3, vm0, $0xb8;
	[tilespmem:$0x14800] =	vst v63  }
0x56: {  	v3 =	vld [tilespmem:$0x10];
	_ =	sdelay $0x4  }
0x57: {  	v57 =	vshll.u32 v3, $0x1  }
0x58: {  	v3 =	vand.u32 $0x7, v3;
	v4 =	vand.u32 $0xFFFFFFF0, v57  }
0x59: {  	v3 =	vor.u32 v3, v4  }
0x5a: {  	v4 =	vperm.xlane v3, v0;
	_ =	sdelay $0x1  }
0x5b: {  	v3 =	vperm.xlane v3, v2;
	v4 =	vadd.s32 v1, v4;
	_ =	sdelay $0x1  }
0x5c: {  	v3 =	vadd.s32 v1, v3;
	_ =	sdelay $0x1  }
0x5d: {  	s22 =	simm.s32 $0x5800  }
0x5e: {  	[tilespmem:s22], [sflag:$0x1] =	stream.indirect_vreg.gather [hbm4b:s3+s20], $0x80, v4, vm0, $0xb8;
	[tilespmem:$0x14800] =	vst v63  }
0x5f: {  	s22 =	simm.s32 $0x6000  }
0x60: {  	[tilespmem:s22], [sflag:$0x1] =	stream.indirect_vreg.gather [hbm4b:s3+s20], $0x80, v3, vm0, $0xb8;
	[tilespmem:$0x14800] =	vst v63  }
0x61: {  	v3 =	vld [tilespmem:$0x20];
	_ =	sdelay $0x4  }
0x62: {  	v58 =	vshll.u32 v3, $0x1  }
0x63: {  	v3 =	vand.u32 $0x7, v3;
	v4 =	vand.u32 $0xFFFFFFF0, v58  }
0x64: {  	v3 =	vor.u32 v3, v4  }
0x65: {  	v4 =	vperm.xlane v3, v0;
	_ =	sdelay $0x1  }
0x66: {  	v3 =	vperm.xlane v3, v2;
	v4 =	vadd.s32 v1, v4;
	_ =	sdelay $0x1  }
0x67: {  	v3 =	vadd.s32 v1, v3;
	_ =	sdelay $0x1  }
0x68: {  	s22 =	simm.s32 $0x6800  }
0x69: {  	[tilespmem:s22], [sflag:$0x1] =	stream.indirect_vreg.gather [hbm4b:s3+s20], $0x80, v4, vm0, $0xb8;
	[tilespmem:$0x14800] =	vst v63  }
0x6a: {  	s22 =	simm.s32 $0x7000  }
0x6b: {  	[tilespmem:s22], [sflag:$0x1] =	stream.indirect_vreg.gather [hbm4b:s3+s20], $0x80, v3, vm0, $0xb8;
	[tilespmem:$0x14800] =	vst v63  }
0x6c: {  	v3 =	vld [tilespmem:$0x30];
	_ =	sdelay $0x4  }
0x6d: {  	v59 =	vshll.u32 v3, $0x1  }
0x6e: {  	v3 =	vand.u32 $0x7, v3;
	v4 =	vand.u32 $0xFFFFFFF0, v59  }
0x6f: {  	v3 =	vor.u32 v3, v4  }
0x70: {  	v4 =	vperm.xlane v3, v0;
	_ =	sdelay $0x1  }
0x71: {  	v3 =	vperm.xlane v3, v2;
	v4 =	vadd.s32 v1, v4;
	_ =	sdelay $0x1  }
0x72: {  	v3 =	vadd.s32 v1, v3;
	_ =	sdelay $0x1  }
0x73: {  	s22 =	simm.s32 $0x7800  }
0x74: {  	[tilespmem:s22], [sflag:$0x1] =	stream.indirect_vreg.gather [hbm4b:s3+s20], $0x80, v4, vm0, $0xb8;
	[tilespmem:$0x14800] =	vst v63  }
0x75: {  	s22 =	simm.s32 $0x8000  }
0x76: {  	[tilespmem:s22], [sflag:$0x1] =	stream.indirect_vreg.gather [hbm4b:s3+s20], $0x80, v3, vm0, $0xb8;
	[tilespmem:$0x14800] =	vst v63  }
0x77: {  	v3 =	vld [tilespmem:$0x40];
	_ =	sdelay $0x4  }
0x78: {  	v60 =	vshll.u32 v3, $0x1  }
0x79: {  	v3 =	vand.u32 $0x7, v3;
	v4 =	vand.u32 $0xFFFFFFF0, v60  }
0x7a: {  	v3 =	vor.u32 v3, v4  }
0x7b: {  	v4 =	vperm.xlane v3, v0;
	_ =	sdelay $0x1  }
0x7c: {  	v3 =	vperm.xlane v3, v2;
	v4 =	vadd.s32 v1, v4;
	_ =	sdelay $0x1  }
0x7d: {  	v3 =	vadd.s32 v1, v3;
	_ =	sdelay $0x1  }
0x7e: {  	s22 =	simm.s32 $0x8800  }
0x7f: {  	[tilespmem:s22], [sflag:$0x1] =	stream.indirect_vreg.gather [hbm4b:s3+s20], $0x80, v4, vm0, $0xb8;
	[tilespmem:$0x14800] =	vst v63  }
0x80: {  	s22 =	simm.s32 $0x9000  }
0x81: {  	[tilespmem:s22], [sflag:$0x1] =	stream.indirect_vreg.gather [hbm4b:s3+s20], $0x80, v3, vm0, $0xb8;
	[tilespmem:$0x14800] =	vst v63  }
0x82: {  	v3 =	vld [tilespmem:$0x50];
	_ =	sdelay $0x4  }
0x83: {  	v61 =	vshll.u32 v3, $0x1  }
0x84: {  	v3 =	vand.u32 $0x7, v3;
	v4 =	vand.u32 $0xFFFFFFF0, v61  }
0x85: {  	v3 =	vor.u32 v3, v4  }
0x86: {  	v4 =	vperm.xlane v3, v0;
	_ =	sdelay $0x1  }
0x87: {  	v3 =	vperm.xlane v3, v2;
	v4 =	vadd.s32 v1, v4;
	_ =	sdelay $0x1  }
0x88: {  	v3 =	vadd.s32 v1, v3;
	_ =	sdelay $0x1  }
0x89: {  	s22 =	simm.s32 $0x9800  }
0x8a: {  	[tilespmem:s22], [sflag:$0x1] =	stream.indirect_vreg.gather [hbm4b:s3+s20], $0x80, v4, vm0, $0xb8;
	[tilespmem:$0x14800] =	vst v63  }
0x8b: {  	s22 =	simm.s32 $0xA000  }
0x8c: {  	[tilespmem:s22], [sflag:$0x1] =	stream.indirect_vreg.gather [hbm4b:s3+s20], $0x80, v3, vm0, $0xb8;
	[tilespmem:$0x14800] =	vst v63  }
0x8d: {  	v3 =	vld [tilespmem:$0x60];
	_ =	sdelay $0x4  }
0x8e: {  	v62 =	vshll.u32 v3, $0x1  }
0x8f: {  	v3 =	vand.u32 $0x7, v3;
	v4 =	vand.u32 $0xFFFFFFF0, v62  }
0x90: {  	v3 =	vor.u32 v3, v4  }
0x91: {  	v4 =	vperm.xlane v3, v0;
	_ =	sdelay $0x1  }
0x92: {  	v3 =	vperm.xlane v3, v2;
	v4 =	vadd.s32 v1, v4;
	_ =	sdelay $0x1  }
0x93: {  	v3 =	vadd.s32 v1, v3;
	_ =	sdelay $0x2  }
0x94: {  	[tilespmem:s23], [sflag:$0x1] =	stream.indirect_vreg.gather [hbm4b:s3+s20], $0x80, v4, vm0, $0xb8;
	[tilespmem:$0x14800] =	vst v63  }
0x95: {  	_ = 	snop  }
0x96: {  	[tilespmem:s24], [sflag:$0x1] =	stream.indirect_vreg.gather [hbm4b:s3+s20], $0x80, v3, vm0, $0xb8;
	[tilespmem:$0x14800] =	vst v63  }
0x97: {  	v3 =	vld [tilespmem:$0x70];
	_ =	sdelay $0x4  }
0x98: {  	v63 =	vshll.u32 v3, $0x1  }
0x99: {  	v3 =	vand.u32 $0x7, v3;
	v4 =	vand.u32 $0xFFFFFFF0, v63  }
0x9a: {  	v3 =	vor.u32 v3, v4  }
0x9b: {  	v4 =	vperm.xlane v3, v0;
	_ =	sdelay $0x1  }
0x9c: {  	v3 =	vperm.xlane v3, v2;
	v4 =	vadd.s32 v1, v4;
	_ =	sdelay $0x1  }
0x9d: {  	v3 =	vadd.s32 v1, v3  }
.Ltmp3:
0x9e: {  	_ = 	snop;
	(pc) =	sbr.rel .LBB2_4-.Ltmp3, $4  }
0x9f: {  	_ = 	snop  }
0xa0: {  	[tilespmem:s25], [sflag:$0x1] =	stream.indirect_vreg.gather [hbm4b:s3+s20], $0x80, v4, vm0, $0xb8;
	[tilespmem:$0x14800] =	vst v63  }
0xa1: {  	s21 =	simm.s32 $0xC0  }
0xa2: {  	[tilespmem:s26], [sflag:$0x1] =	stream.indirect_vreg.gather [hbm4b:s3+s20], $0x80, v3, vm0, $0xb8;
	[tilespmem:$0x14800] =	vst v63  }
.LBB2_6:
0xa3: {  	_ =	swait.ge [sflag:s19], $0x8000;
	s22 =	sadd.s32 s20, s7;
	s20 =	sadd.s32 $0x2000, s20  }
0xa4: {  	[sflag:s19] =	ssyncset.done $0x0;
	p0 =	sne.s32 s20, $0x44000  }
.Ltmp4:
0xa5: {  	[sflag:s19] =	ssyncadd.s32 $0xFFFF8000;
	(pc) =	sbr.rel @!p0 .LBB2_7-.Ltmp4, $4  }
0xa6: {  	[hbm4b:s22+s2] =	stream.linear.scatter [tilespmem:s29], [sflag:$0x3], $0x8000, $0x38;
	[tilespmem:$0x14800] =	vst v63  }
0xa7: {  	_ =	swait.ge [sflag:s9], $0x8000  }
0xa8: {  	[sflag:s9] =	ssyncset.done $0x0  }
0xa9: {  	s21 =	sadd.s32 $0x100, s21;
	[sflag:s9] =	ssyncadd.s32 $0xFFFF8000  }
.LBB2_4:
0xaa: {  	_ =	swait.ge [sflag:s28], $0x8000  }
0xab: {  	[sflag:s28] =	ssyncset.done $0x0  }
0xac: {  	[sflag:s28] =	ssyncadd.s32 $0xFFFF8000  }
0xad: {  	v3 =	vld [tilespmem:s21+$0xFFFFFFC0];
	_ =	sdelay $0x4  }
0xae: {  	v4 =	vshll.u32 v3, $0x1  }
0xaf: {  	v3 =	vand.u32 $0x7, v3;
	v4 =	vand.u32 $0xFFFFFFF0, v4  }
0xb0: {  	v3 =	vor.u32 v3, v4  }
0xb1: {  	v4 =	vperm.xlane v3, v0;
	_ =	sdelay $0x1  }
0xb2: {  	v3 =	vperm.xlane v3, v2;
	v4 =	vadd.s32 v1, v4;
	_ =	sdelay $0x1  }
0xb3: {  	v3 =	vadd.s32 v1, v3;
	_ =	sdelay $0x2  }
0xb4: {  	[tilespmem:s29], [sflag:$0x2] =	stream.indirect_vreg.gather [hbm4b:s3+s2], $0x80, v4, vm0, $0xb8;
	[tilespmem:$0x14800] =	vst v63  }
0xb5: {  	_ = 	snop  }
0xb6: {  	[tilespmem:s30], [sflag:$0x2] =	stream.indirect_vreg.gather [hbm4b:s3+s2], $0x80, v3, vm0, $0xb8;
	[tilespmem:$0x14800] =	vst v63  }
0xb7: {  	v3 =	vld [tilespmem:s21+$0xFFFFFFD0];
	_ =	sdelay $0x4  }
0xb8: {  	v57 =	vshll.u32 v3, $0x1  }
0xb9: {  	v3 =	vand.u32 $0x7, v3;
	v4 =	vand.u32 $0xFFFFFFF0, v57  }
0xba: {  	v3 =	vor.u32 v3, v4  }
0xbb: {  	v4 =	vperm.xlane v3, v0;
	_ =	sdelay $0x1  }
0xbc: {  	v3 =	vperm.xlane v3, v2;
	v4 =	vadd.s32 v1, v4;
	_ =	sdelay $0x1  }
0xbd: {  	v3 =	vadd.s32 v1, v3;
	_ =	sdelay $0x2  }
0xbe: {  	[tilespmem:s31], [sflag:$0x2] =	stream.indirect_vreg.gather [hbm4b:s3+s2], $0x80, v4, vm0, $0xb8;
	[tilespmem:$0x14800] =	vst v63  }
0xbf: {  	_ = 	snop  }
0xc0: {  	[tilespmem:s1], [sflag:$0x2] =	stream.indirect_vreg.gather [hbm4b:s3+s2], $0x80, v3, vm0, $0xb8;
	[tilespmem:$0x14800] =	vst v63  }
0xc1: {  	v3 =	vld [tilespmem:s21+$0xFFFFFFE0];
	_ =	sdelay $0x4  }
0xc2: {  	v58 =	vshll.u32 v3, $0x1  }
0xc3: {  	v3 =	vand.u32 $0x7, v3;
	v4 =	vand.u32 $0xFFFFFFF0, v58  }
0xc4: {  	v3 =	vor.u32 v3, v4  }
0xc5: {  	v4 =	vperm.xlane v3, v0;
	_ =	sdelay $0x1  }
0xc6: {  	v3 =	vperm.xlane v3, v2;
	v4 =	vadd.s32 v1, v4;
	_ =	sdelay $0x1  }
0xc7: {  	v3 =	vadd.s32 v1, v3;
	_ =	sdelay $0x2  }
0xc8: {  	[tilespmem:s0], [sflag:$0x2] =	stream.indirect_vreg.gather [hbm4b:s3+s2], $0x80, v4, vm0, $0xb8;
	[tilespmem:$0x14800] =	vst v63  }
0xc9: {  	_ = 	snop  }
0xca: {  	[tilespmem:s10], [sflag:$0x2] =	stream.indirect_vreg.gather [hbm4b:s3+s2], $0x80, v3, vm0, $0xb8;
	[tilespmem:$0x14800] =	vst v63  }
0xcb: {  	v3 =	vld [tilespmem:s21+$0xFFFFFFF0];
	_ =	sdelay $0x4  }
0xcc: {  	v59 =	vshll.u32 v3, $0x1  }
0xcd: {  	v3 =	vand.u32 $0x7, v3;
	v4 =	vand.u32 $0xFFFFFFF0, v59  }
0xce: {  	v3 =	vor.u32 v3, v4  }
0xcf: {  	v4 =	vperm.xlane v3, v0;
	_ =	sdelay $0x1  }
0xd0: {  	v3 =	vperm.xlane v3, v2;
	v4 =	vadd.s32 v1, v4;
	_ =	sdelay $0x1  }
0xd1: {  	v3 =	vadd.s32 v1, v3;
	_ =	sdelay $0x2  }
0xd2: {  	[tilespmem:s4], [sflag:$0x2] =	stream.indirect_vreg.gather [hbm4b:s3+s2], $0x80, v4, vm0, $0xb8;
	[tilespmem:$0x14800] =	vst v63  }
0xd3: {  	_ = 	snop  }
0xd4: {  	[tilespmem:s5], [sflag:$0x2] =	stream.indirect_vreg.gather [hbm4b:s3+s2], $0x80, v3, vm0, $0xb8;
	[tilespmem:$0x14800] =	vst v63  }
0xd5: {  	v3 =	vld [tilespmem:s21+$0x0];
	_ =	sdelay $0x4  }
0xd6: {  	v60 =	vshll.u32 v3, $0x1  }
0xd7: {  	v3 =	vand.u32 $0x7, v3;
	v4 =	vand.u32 $0xFFFFFFF0, v60  }
0xd8: {  	v3 =	vor.u32 v3, v4  }
0xd9: {  	v4 =	vperm.xlane v3, v0;
	_ =	sdelay $0x1  }
0xda: {  	v3 =	vperm.xlane v3, v2;
	v4 =	vadd.s32 v1, v4;
	_ =	sdelay $0x1  }
0xdb: {  	v3 =	vadd.s32 v1, v3;
	_ =	sdelay $0x2  }
0xdc: {  	[tilespmem:s6], [sflag:$0x2] =	stream.indirect_vreg.gather [hbm4b:s3+s2], $0x80, v4, vm0, $0xb8;
	[tilespmem:$0x14800] =	vst v63  }
0xdd: {  	_ = 	snop  }
0xde: {  	[tilespmem:s12], [sflag:$0x2] =	stream.indirect_vreg.gather [hbm4b:s3+s2], $0x80, v3, vm0, $0xb8;
	[tilespmem:$0x14800] =	vst v63  }
0xdf: {  	v3 =	vld [tilespmem:s21+$0x10];
	_ =	sdelay $0x4  }
0xe0: {  	v61 =	vshll.u32 v3, $0x1  }
0xe1: {  	v3 =	vand.u32 $0x7, v3;
	v4 =	vand.u32 $0xFFFFFFF0, v61  }
0xe2: {  	v3 =	vor.u32 v3, v4  }
0xe3: {  	v4 =	vperm.xlane v3, v0;
	_ =	sdelay $0x1  }
0xe4: {  	v3 =	vperm.xlane v3, v2;
	v4 =	vadd.s32 v1, v4;
	_ =	sdelay $0x1  }
0xe5: {  	v3 =	vadd.s32 v1, v3;
	_ =	sdelay $0x2  }
0xe6: {  	[tilespmem:s13], [sflag:$0x2] =	stream.indirect_vreg.gather [hbm4b:s3+s2], $0x80, v4, vm0, $0xb8;
	[tilespmem:$0x14800] =	vst v63  }
0xe7: {  	_ = 	snop  }
0xe8: {  	[tilespmem:s14], [sflag:$0x2] =	stream.indirect_vreg.gather [hbm4b:s3+s2], $0x80, v3, vm0, $0xb8;
	[tilespmem:$0x14800] =	vst v63  }
0xe9: {  	v3 =	vld [tilespmem:s21+$0x20];
	_ =	sdelay $0x4  }
0xea: {  	v62 =	vshll.u32 v3, $0x1  }
0xeb: {  	v3 =	vand.u32 $0x7, v3;
	v4 =	vand.u32 $0xFFFFFFF0, v62  }
0xec: {  	v3 =	vor.u32 v3, v4  }
0xed: {  	v4 =	vperm.xlane v3, v0;
	_ =	sdelay $0x1  }
0xee: {  	v3 =	vperm.xlane v3, v2;
	v4 =	vadd.s32 v1, v4;
	_ =	sdelay $0x1  }
0xef: {  	v3 =	vadd.s32 v1, v3;
	_ =	sdelay $0x2  }
0xf0: {  	[tilespmem:s15], [sflag:$0x2] =	stream.indirect_vreg.gather [hbm4b:s3+s2], $0x80, v4, vm0, $0xb8;
	[tilespmem:$0x14800] =	vst v63  }
0xf1: {  	_ = 	snop  }
0xf2: {  	[tilespmem:s16], [sflag:$0x2] =	stream.indirect_vreg.gather [hbm4b:s3+s2], $0x80, v3, vm0, $0xb8;
	[tilespmem:$0x14800] =	vst v63  }
0xf3: {  	v3 =	vld [tilespmem:s21+$0x30];
	_ =	sdelay $0x4  }
0xf4: {  	v63 =	vshll.u32 v3, $0x1  }
0xf5: {  	v3 =	vand.u32 $0x7, v3;
	v4 =	vand.u32 $0xFFFFFFF0, v63  }
0xf6: {  	v3 =	vor.u32 v3, v4  }
0xf7: {  	v4 =	vperm.xlane v3, v0;
	_ =	sdelay $0x1  }
0xf8: {  	v3 =	vperm.xlane v3, v2;
	v4 =	vadd.s32 v1, v4;
	_ =	sdelay $0x1  }
0xf9: {  	v3 =	vadd.s32 v1, v3;
	_ =	sdelay $0x2  }
0xfa: {  	[tilespmem:s17], [sflag:$0x2] =	stream.indirect_vreg.gather [hbm4b:s3+s2], $0x80, v4, vm0, $0xb8;
	[tilespmem:$0x14800] =	vst v63  }
0xfb: {  	p0 =	seq.s32 s20, $0x42000  }
0xfc: {  	[tilespmem:s18], [sflag:$0x2] =	stream.indirect_vreg.gather [hbm4b:s3+s2], $0x80, v3, vm0, $0xb8;
	[tilespmem:$0x14800] =	vst v63  }
.Ltmp5:
0xfd: {  	s22 =	sadd.s32 s20, s8;
	(pc) =	sbr.rel @p0 .LBB2_6-.Ltmp5, $4  }
0xfe: {  	[hbm4b:s22+s2] =	stream.linear.scatter [tilespmem:s11], [sflag:$0x3], $0x8000, $0x38;
	[tilespmem:$0x14800] =	vst v63  }
0xff: {  	_ =	swait.ge [sflag:s9], $0x8000  }
0x100: {  	[sflag:s9] =	ssyncset.done $0x0  }
0x101: {  	[sflag:s9] =	ssyncadd.s32 $0xFFFF8000  }
0x102: {  	v3 =	vld [tilespmem:s21+$0x40];
	_ =	sdelay $0x4  }
0x103: {  	v4 =	vshll.u32 v3, $0x1  }
0x104: {  	v3 =	vand.u32 $0x7, v3;
	v4 =	vand.u32 $0xFFFFFFF0, v4  }
0x105: {  	v3 =	vor.u32 v3, v4  }
0x106: {  	v4 =	vperm.xlane v3, v0;
	_ =	sdelay $0x1  }
0x107: {  	v3 =	vperm.xlane v3, v2;
	v4 =	vadd.s32 v1, v4;
	_ =	sdelay $0x1  }
0x108: {  	v3 =	vadd.s32 v1, v3;
	_ =	sdelay $0x2  }
0x109: {  	[tilespmem:s11], [sflag:$0x1] =	stream.indirect_vreg.gather [hbm4b:s3+s2], $0x80, v4, vm0, $0xb8;
	[tilespmem:$0x14800] =	vst v63  }
0x10a: {  	s22 =	simm.s32 $0x5000  }
0x10b: {  	[tilespmem:s22], [sflag:$0x1] =	stream.indirect_vreg.gather [hbm4b:s3+s2], $0x80, v3, vm0, $0xb8;
	[tilespmem:$0x14800] =	vst v63  }
0x10c: {  	v3 =	vld [tilespmem:s21+$0x50];
	_ =	sdelay $0x4  }
0x10d: {  	v57 =	vshll.u32 v3, $0x1  }
0x10e: {  	v3 =	vand.u32 $0x7, v3;
	v4 =	vand.u32 $0xFFFFFFF0, v57  }
0x10f: {  	v3 =	vor.u32 v3, v4  }
0x110: {  	v4 =	vperm.xlane v3, v0;
	_ =	sdelay $0x1  }
0x111: {  	v3 =	vperm.xlane v3, v2;
	v4 =	vadd.s32 v1, v4;
	_ =	sdelay $0x1  }
0x112: {  	v3 =	vadd.s32 v1, v3;
	_ =	sdelay $0x1  }
0x113: {  	s22 =	simm.s32 $0x5800  }
0x114: {  	[tilespmem:s22], [sflag:$0x1] =	stream.indirect_vreg.gather [hbm4b:s3+s2], $0x80, v4, vm0, $0xb8;
	[tilespmem:$0x14800] =	vst v63  }
0x115: {  	s22 =	simm.s32 $0x6000  }
0x116: {  	[tilespmem:s22], [sflag:$0x1] =	stream.indirect_vreg.gather [hbm4b:s3+s2], $0x80, v3, vm0, $0xb8;
	[tilespmem:$0x14800] =	vst v63  }
0x117: {  	v3 =	vld [tilespmem:s21+$0x60];
	_ =	sdelay $0x4  }
0x118: {  	v58 =	vshll.u32 v3, $0x1  }
0x119: {  	v3 =	vand.u32 $0x7, v3;
	v4 =	vand.u32 $0xFFFFFFF0, v58  }
0x11a: {  	v3 =	vor.u32 v3, v4  }
0x11b: {  	v4 =	vperm.xlane v3, v0;
	_ =	sdelay $0x1  }
0x11c: {  	v3 =	vperm.xlane v3, v2;
	v4 =	vadd.s32 v1, v4;
	_ =	sdelay $0x1  }
0x11d: {  	v3 =	vadd.s32 v1, v3;
	_ =	sdelay $0x1  }
0x11e: {  	s22 =	simm.s32 $0x6800  }
0x11f: {  	[tilespmem:s22], [sflag:$0x1] =	stream.indirect_vreg.gather [hbm4b:s3+s2], $0x80, v4, vm0, $0xb8;
	[tilespmem:$0x14800] =	vst v63  }
0x120: {  	s22 =	simm.s32 $0x7000  }
0x121: {  	[tilespmem:s22], [sflag:$0x1] =	stream.indirect_vreg.gather [hbm4b:s3+s2], $0x80, v3, vm0, $0xb8;
	[tilespmem:$0x14800] =	vst v63  }
0x122: {  	v3 =	vld [tilespmem:s21+$0x70];
	_ =	sdelay $0x4  }
0x123: {  	v59 =	vshll.u32 v3, $0x1  }
0x124: {  	v3 =	vand.u32 $0x7, v3;
	v4 =	vand.u32 $0xFFFFFFF0, v59  }
0x125: {  	v3 =	vor.u32 v3, v4  }
0x126: {  	v4 =	vperm.xlane v3, v0;
	_ =	sdelay $0x1  }
0x127: {  	v3 =	vperm.xlane v3, v2;
	v4 =	vadd.s32 v1, v4;
	_ =	sdelay $0x1  }
0x128: {  	v3 =	vadd.s32 v1, v3;
	_ =	sdelay $0x1  }
0x129: {  	s22 =	simm.s32 $0x7800  }
0x12a: {  	[tilespmem:s22], [sflag:$0x1] =	stream.indirect_vreg.gather [hbm4b:s3+s2], $0x80, v4, vm0, $0xb8;
	[tilespmem:$0x14800] =	vst v63  }
0x12b: {  	s22 =	simm.s32 $0x8000  }
0x12c: {  	[tilespmem:s22], [sflag:$0x1] =	stream.indirect_vreg.gather [hbm4b:s3+s2], $0x80, v3, vm0, $0xb8;
	[tilespmem:$0x14800] =	vst v63  }
0x12d: {  	v3 =	vld [tilespmem:s21+$0x80];
	_ =	sdelay $0x4  }
0x12e: {  	v60 =	vshll.u32 v3, $0x1  }
0x12f: {  	v3 =	vand.u32 $0x7, v3;
	v4 =	vand.u32 $0xFFFFFFF0, v60  }
0x130: {  	v3 =	vor.u32 v3, v4  }
0x131: {  	v4 =	vperm.xlane v3, v0;
	_ =	sdelay $0x1  }
0x132: {  	v3 =	vperm.xlane v3, v2;
	v4 =	vadd.s32 v1, v4;
	_ =	sdelay $0x1  }
0x133: {  	v3 =	vadd.s32 v1, v3;
	_ =	sdelay $0x1  }
0x134: {  	s22 =	simm.s32 $0x8800  }
0x135: {  	[tilespmem:s22], [sflag:$0x1] =	stream.indirect_vreg.gather [hbm4b:s3+s2], $0x80, v4, vm0, $0xb8;
	[tilespmem:$0x14800] =	vst v63  }
0x136: {  	s22 =	simm.s32 $0x9000  }
0x137: {  	[tilespmem:s22], [sflag:$0x1] =	stream.indirect_vreg.gather [hbm4b:s3+s2], $0x80, v3, vm0, $0xb8;
	[tilespmem:$0x14800] =	vst v63  }
0x138: {  	v3 =	vld [tilespmem:s21+$0x90];
	_ =	sdelay $0x4  }
0x139: {  	v61 =	vshll.u32 v3, $0x1  }
0x13a: {  	v3 =	vand.u32 $0x7, v3;
	v4 =	vand.u32 $0xFFFFFFF0, v61  }
0x13b: {  	v3 =	vor.u32 v3, v4  }
0x13c: {  	v4 =	vperm.xlane v3, v0;
	_ =	sdelay $0x1  }
0x13d: {  	v3 =	vperm.xlane v3, v2;
	v4 =	vadd.s32 v1, v4;
	_ =	sdelay $0x1  }
0x13e: {  	v3 =	vadd.s32 v1, v3;
	_ =	sdelay $0x1  }
0x13f: {  	s22 =	simm.s32 $0x9800  }
0x140: {  	[tilespmem:s22], [sflag:$0x1] =	stream.indirect_vreg.gather [hbm4b:s3+s2], $0x80, v4, vm0, $0xb8;
	[tilespmem:$0x14800] =	vst v63  }
0x141: {  	s22 =	simm.s32 $0xA000  }
0x142: {  	[tilespmem:s22], [sflag:$0x1] =	stream.indirect_vreg.gather [hbm4b:s3+s2], $0x80, v3, vm0, $0xb8;
	[tilespmem:$0x14800] =	vst v63  }
0x143: {  	v3 =	vld [tilespmem:s21+$0xA0];
	_ =	sdelay $0x4  }
0x144: {  	v62 =	vshll.u32 v3, $0x1  }
0x145: {  	v3 =	vand.u32 $0x7, v3;
	v4 =	vand.u32 $0xFFFFFFF0, v62  }
0x146: {  	v3 =	vor.u32 v3, v4  }
0x147: {  	v4 =	vperm.xlane v3, v0;
	_ =	sdelay $0x1  }
0x148: {  	v3 =	vperm.xlane v3, v2;
	v4 =	vadd.s32 v1, v4;
	_ =	sdelay $0x1  }
0x149: {  	v3 =	vadd.s32 v1, v3;
	_ =	sdelay $0x2  }
0x14a: {  	[tilespmem:s23], [sflag:$0x1] =	stream.indirect_vreg.gather [hbm4b:s3+s2], $0x80, v4, vm0, $0xb8;
	[tilespmem:$0x14800] =	vst v63  }
0x14b: {  	_ = 	snop  }
0x14c: {  	[tilespmem:s24], [sflag:$0x1] =	stream.indirect_vreg.gather [hbm4b:s3+s2], $0x80, v3, vm0, $0xb8;
	[tilespmem:$0x14800] =	vst v63  }
0x14d: {  	v3 =	vld [tilespmem:s21+$0xB0];
	_ =	sdelay $0x4  }
0x14e: {  	v63 =	vshll.u32 v3, $0x1  }
0x14f: {  	v3 =	vand.u32 $0x7, v3;
	v4 =	vand.u32 $0xFFFFFFF0, v63  }
0x150: {  	v3 =	vor.u32 v3, v4  }
0x151: {  	v4 =	vperm.xlane v3, v0;
	_ =	sdelay $0x1  }
0x152: {  	v3 =	vperm.xlane v3, v2;
	v4 =	vadd.s32 v1, v4;
	_ =	sdelay $0x1  }
0x153: {  	v3 =	vadd.s32 v1, v3  }
.Ltmp6:
0x154: {  	_ = 	snop;
	(pc) =	sbr.rel .LBB2_6-.Ltmp6, $4  }
0x155: {  	_ = 	snop  }
0x156: {  	[tilespmem:s25], [sflag:$0x1] =	stream.indirect_vreg.gather [hbm4b:s3+s2], $0x80, v4, vm0, $0xb8;
	[tilespmem:$0x14800] =	vst v63  }
0x157: {  	_ = 	snop  }
0x158: {  	[tilespmem:s26], [sflag:$0x1] =	stream.indirect_vreg.gather [hbm4b:s3+s2], $0x80, v3, vm0, $0xb8;
	[tilespmem:$0x14800] =	vst v63  }
.LBB2_8:
0x159: {  	_ =	sfence.sel $0x180000  }
0x15a: {  	[bflag:$0x0] =	sbarrier.arrive $0xFFFF  }
0x15b: {  	_ =	strace $0x90000047  }
0x15c: {  	s0 =	stileid.u32;
	[bflag:$0x2] =	sbarrier.arrive $0xFFFF  }
0x15d: {  	p0 =	sne.s32 s0, $0x0;
	s0 =	rddreg [dreg:$0x2]  }
0x15e: {  	s0 =	sadd.s32 @!p0 $0x100000, s0  }
0x15f: {  	[sflag:s0] =	ssyncadd.tile.s32 @!p0 $0x1;
	_ =	shalt  }
.Lfunc_end2:
_tile_overlayer_lowered:
.L_overlay_start_2:
0x160: {  	(tag) =	ssettag $0x2  }
0x161: {  	s0 =	rddreg [dreg:$0x0];
	s2 =	stileid.u32  }
0x162: {  	s1 =	rddreg [dreg:$0x1];
	p0 =	sne.s32 s2, $0x0  }
0x163: {  	s3 =	rddreg [dreg:$0x2];
	[bflag:$0x3] =	sbarrier.arrive $0xFFFF;
	s2 =	simm.s32 @!p0 $0x1C03  }
0x164: {  	[timem:s3], [sflag:s2] =	dma.local @!p0 [hbm:s0], s1  }
0x165: {  	s0 =	simm.s32 @!p0 $0x3  }
0x166: {  	_ =	swait.ge @!p0 [sflag:s0], s1  }
0x167: {  	s1 =	ssub.s32 @!p0 $0x0, s1;
	[sflag:s0] =	ssyncset.done @!p0 $0x0  }
0x168: {  	[sflag:s0] =	ssyncadd.s32 @!p0 s1  }
0x169: {  	[bflag:$0x3] =	sbarrier.arrive $0xFFFF  }
0x16a: {  	_ =	shalt  }

</sc_bundles>
